<compile_context>
chip_gen: v7x
topology: tpu7x:2x2x1
jax: 0.10.2.dev20260603
libtpu: 0.0.44.dev20260713+nightly
codegen_flags: <defaults>
</compile_context>

<pallas_src>
import functools

import jax
import jax.numpy as jnp
from jax import lax
from jax.experimental import pallas as pl
from jax.experimental.pallas import tpu as pltpu
from jax.experimental.pallas import tpu_sc as plsc

_NC = 2
_NS = 16
_NW = _NC * _NS

_BLK = 1024


def _stage_a_body(x_ref, w_ref, idx_ref, loss_ref, perp_ref, acc_ref, cnt_ref,
                  nw_ref, w2_ref):
    i = pl.program_id(0)
    n = pl.num_programs(0)
    blk = x_ref.shape[2]
    k = w_ref.shape[0]
    nch = k // 128

    @pl.when(i == 0)
    def _():
        acc_ref[...] = jnp.zeros_like(acc_ref)
        cnt_ref[...] = jnp.zeros_like(cnt_ref)
        w = w_ref[...]
        nw_ref[...] = -(w + w)
        o8 = jnp.ones((8, w.shape[1]), jnp.float32)
        w2_ref[...] = lax.dot_general(w * w, o8, (((1,), (1,)), ((), ())),
                                      preferred_element_type=jnp.float32)

    xt = x_ref[0]
    ones8 = jnp.ones((8, xt.shape[0]), jnp.float32)
    x2row = lax.dot_general(ones8, xt * xt, (((1,), (0,)), ((), ())),
                            preferred_element_type=jnp.float32)[0:1]
    w2 = w2_ref[:, 0:1]
    ji = lax.broadcasted_iota(jnp.int32, (128, blk), 0).astype(jnp.float32)

    minval = None
    minidx = None
    for kb in range(nch):
        nwk = nw_ref[kb * 128:(kb + 1) * 128, :]
        mm2k = lax.dot_general(nwk, xt, (((1,), (0,)), ((), ())),
                               preferred_element_type=jnp.float32)
        dk = (x2row + w2[kb * 128:(kb + 1) * 128]) + mm2k
        if kb == 0:
            minval = dk
            minidx = ji
        else:
            better = dk < minval
            minval = jnp.where(better, dk, minval)
            minidx = jnp.where(better, ji + float(kb * 128), minidx)

    m = jnp.min(minval, axis=0, keepdims=True)
    cand = jnp.where(minval == m, minidx, jnp.float32(2.0 ** 30))
    idxf = jnp.min(cand, axis=0, keepdims=True)
    idx_ref[...] = idxf.astype(jnp.int32).reshape(idx_ref.shape)

    acc_ref[...] += jnp.sum(m, keepdims=True)
    rowsc = lax.broadcasted_iota(jnp.int32, (k, blk), 0).astype(jnp.float32)
    onehot = jnp.where(rowsc == idxf, 1.0, 0.0).astype(jnp.float32)
    ones = jnp.ones((8, blk), jnp.float32)
    cnt_ref[...] += lax.dot_general(ones, onehot, (((1,), (1,)), ((), ())),
                                    preferred_element_type=jnp.float32)

    @pl.when(i == n - 1)
    def _():
        rows_total = n * blk
        denom = rows_total * x_ref.shape[1]
        loss_ref[...] = acc_ref[...] * (0.25 / denom)
        p = cnt_ref[0:1, :] * (1.0 / rows_total)
        s = jnp.sum(p * jnp.log(p + 1e-10), keepdims=True)
        perp_ref[...] = jnp.exp(-s)


def _stage_a(x, w):
    nb, dd, t = x.shape
    rows = nb * t
    k = w.shape[0]
    grid = rows // _BLK
    return pl.pallas_call(
        _stage_a_body,
        grid=(grid,),
        in_specs=[
            pl.BlockSpec((1, dd, _BLK), lambda i: (i, 0, 0)),
            pl.BlockSpec((k, dd), lambda i: (0, 0)),
        ],
        out_specs=[
            pl.BlockSpec((_BLK,), lambda i: (i,)),
            pl.BlockSpec((1, 1), lambda i: (0, 0)),
            pl.BlockSpec((1, 1), lambda i: (0, 0)),
        ],
        out_shape=[
            jax.ShapeDtypeStruct((rows,), jnp.int32),
            jax.ShapeDtypeStruct((1, 1), jnp.float32),
            jax.ShapeDtypeStruct((1, 1), jnp.float32),
        ],
        scratch_shapes=[
            pltpu.VMEM((1, 1), jnp.float32),
            pltpu.VMEM((8, k), jnp.float32),
            pltpu.VMEM((k, dd), jnp.float32),
            pltpu.VMEM((k, 8), jnp.float32),
        ],
    )(x, w)


def _sc_gather_body(w_hbm, idx_hbm, q_hbm, idx_v, rows_v, sem):
    cid = lax.axis_index("c")
    sid = lax.axis_index("s")
    wid = sid * _NC + cid
    b = idx_v.shape[0]
    base = wid * b
    pltpu.sync_copy(idx_hbm.at[pl.ds(base, b)], idx_v)
    pltpu.async_copy(w_hbm.at[idx_v], rows_v, sem).wait()
    pltpu.sync_copy(rows_v, q_hbm.at[pl.ds(base, b)])


def _sc_gather(w_pad, idx):
    rows = idx.shape[0]
    k, dpad = w_pad.shape
    b = rows // _NW
    mesh = plsc.VectorSubcoreMesh(core_axis_name="c", subcore_axis_name="s")
    fn = functools.partial(
        pl.kernel,
        mesh=mesh,
        out_type=jax.ShapeDtypeStruct((rows, dpad), jnp.float32),
        scratch_types=[
            pltpu.VMEM((b,), jnp.int32),
            pltpu.VMEM((b, dpad), jnp.float32),
            pltpu.SemaphoreType.DMA,
        ],
    )(_sc_gather_body)
    return fn(w_pad, idx)


def kernel(latents, W):
    orig_shape = latents.shape
    d = orig_shape[-1]

    xt = jnp.swapaxes(latents, 1, 2)
    idx, loss, perp = _stage_a(xt, W)
    w_pad = jnp.pad(W, ((0, 0), (0, 128 - d)))
    q = _sc_gather(w_pad, idx)
    return (q[:, :d].reshape(orig_shape), loss.reshape(()), perp.reshape(()))

# --- scband reference (transcript-rebuilt; emitter-appended) ---
"""Pipeline reference for scband-vector-quantizer-60370060313181 (READ-ONLY COPY).

The authoritative reference and input builder live on the scoring server;
editing this copy changes nothing except your own understanding.
"""

import jax, jax.numpy as jnp
import numpy as np

NUM_EMBEDDINGS = 1024
EMBEDDING_DIM = 64
COMMITMENT_COST = 0.25


def setup_inputs(seed: int = 0) -> dict:
    key = jax.random.key(seed)
    k1, k2 = jax.random.split(key)
    latents = jax.random.normal(k1, (16, 1024, EMBEDDING_DIM), dtype=jnp.float32)
    W = jax.random.uniform(k2, (NUM_EMBEDDINGS, EMBEDDING_DIM), dtype=jnp.float32,
                           minval=-1.0 / NUM_EMBEDDINGS, maxval=1.0 / NUM_EMBEDDINGS)
    return {"latents": latents, "W": W}


def reference(latents, W):
    original_shape = latents.shape
    D = EMBEDDING_DIM
    latents_flat = latents.reshape(-1, D)
    # pairwise squared distances between latents and codebook entries
    distances = (jnp.sum(latents_flat ** 2, axis=1, keepdims=True)
                 + jnp.sum(W ** 2, axis=1)
                 - 2.0 * jnp.matmul(latents_flat, W.T))
    encoding_indices = jnp.argmin(distances, axis=1)
    encodings = jax.nn.one_hot(encoding_indices, NUM_EMBEDDINGS, dtype=jnp.float32)
    quantized_latents_flat = jnp.matmul(encodings, W)
    quantized_latents = quantized_latents_flat.reshape(original_shape[0], -1, D)
    commitment_loss = jnp.mean((jax.lax.stop_gradient(latents)
                                - quantized_latents_flat.reshape(latents.shape)) ** 2)
    # straight-through estimator
    quantized_latents = latents + jax.lax.stop_gradient(quantized_latents - latents)
    avg_probs = jnp.mean(encodings, axis=0)
    perplexity = jnp.exp(-jnp.sum(avg_probs * jnp.log(avg_probs + 1e-10)))
    return (quantized_latents, COMMITMENT_COST * commitment_loss, perplexity)

if __name__ == "__main__":
    import jax
    _d = setup_inputs()
    print(jax.jit(kernel)(*tuple(_d.values())))

</pallas_src>

<mosaic_0001>
#map = affine_map<(d0, d1) -> (0, 0)>
#map1 = affine_map<(d0, d1) -> (0)>
module attributes {stable_mosaic.version = 14 : i64} {
  func.func @_sc_gather_body(%arg0: i32, %arg1: i32, %arg2: memref<1024x128xf32, #tpu.memory_space<hbm>>, %arg3: memref<16384xi32, #tpu.memory_space<hbm>>, %arg4: memref<16384x128xf32, #tpu.memory_space<hbm>>, %arg5: memref<512xi32, #tpu.memory_space<vmem>>, %arg6: memref<512x128xf32, #tpu.memory_space<vmem>>, %arg7: memref<!tpu.dma_semaphore, #tpu.memory_space<semaphore_mem>>) attributes {dimension_semantics = [#tpu.dimension_semantics<core_parallel>, #tpu.dimension_semantics<subcore_parallel>], iteration_bounds = array<i64: 2, 16>, scalar_prefetch = 0 : i64, scratch_operands = 3 : i64, tpu.core_type = #tpu.core_type<sc_vector_subcore>, window_params = [{transform_indices = #map}, {transform_indices = #map1}, {transform_indices = #map}]} {
    %mul3A = arith.constant 2 : i32
    %mul3A_0 = arith.muli %arg1, %mul3A : i32
    %add3A = arith.addi %mul3A_0, %arg0 : i32
    %mul3A_1 = arith.constant 512 : i32
    %mul3A_2 = arith.muli %add3A, %mul3A_1 : i32
    "tpu.region"() ({
      %run_scoped3A = tpu.sem_alloc : memref<!tpu.dma_semaphore, #tpu.memory_space<semaphore_mem>>
      %dma_start3A_7 = tpu.memref_slice %arg3[%mul3A_2] : memref<16384xi32, #tpu.memory_space<hbm>> -> memref<512xi32, #tpu.memory_space<hbm>>
      %dma_start3A_8 = tpu.memref_slice %arg3[%mul3A_2] : memref<16384xi32, #tpu.memory_space<hbm>> -> memref<512xi32, #tpu.memory_space<hbm>>
      tpu.enqueue_dma source(%dma_start3A_8 : memref<512xi32, #tpu.memory_space<hbm>>) target(%arg5 : memref<512xi32, #tpu.memory_space<vmem>>) target_semaphore(%run_scoped3A : memref<!tpu.dma_semaphore, #tpu.memory_space<semaphore_mem>>)
      %dma_wait3A_9 = tpu.memref_slice %arg3[%mul3A_2] : memref<16384xi32, #tpu.memory_space<hbm>> -> memref<512xi32, #tpu.memory_space<hbm>>
      %dma_wait3A_10 = tpu.memref_slice %arg3[%mul3A_2] : memref<16384xi32, #tpu.memory_space<hbm>> -> memref<512xi32, #tpu.memory_space<hbm>>
      tpu.wait_dma2 semaphore(%run_scoped3A : memref<!tpu.dma_semaphore, #tpu.memory_space<semaphore_mem>>) src(%dma_wait3A_10 : memref<512xi32, #tpu.memory_space<hbm>>) dst(%arg5 : memref<512xi32, #tpu.memory_space<vmem>>)
      tpu.yield
    }) : () -> ()
    %dma_start3A = arith.constant 0 : i32
    %dma_start3A_3 = arith.constant 0 : i32
    %dma_start3A_4 = tpu.memref_slice %arg2[%dma_start3A, %dma_start3A_3] : memref<1024x128xf32, #tpu.memory_space<hbm>> -> memref<1024x128xf32, #tpu.memory_space<hbm>>
    tpu.enqueue_indirect_dma source(%dma_start3A_4 : memref<1024x128xf32, #tpu.memory_space<hbm>>) target(%arg6 : memref<512x128xf32, #tpu.memory_space<vmem>>) offsets(%arg5 : memref<512xi32, #tpu.memory_space<vmem>>) semaphore(%arg7 : memref<!tpu.dma_semaphore, #tpu.memory_space<semaphore_mem>>)
    %dma_wait3A = arith.constant 0 : i32
    %dma_wait3A_5 = arith.constant 0 : i32
    %dma_wait3A_6 = tpu.memref_slice %arg2[%dma_wait3A, %dma_wait3A_5] : memref<1024x128xf32, #tpu.memory_space<hbm>> -> memref<1024x128xf32, #tpu.memory_space<hbm>>
    tpu.wait_indirect_dma semaphore(%arg7 : memref<!tpu.dma_semaphore, #tpu.memory_space<semaphore_mem>>) src(%dma_wait3A_6 : memref<1024x128xf32, #tpu.memory_space<hbm>>) dst(%arg6 : memref<512x128xf32, #tpu.memory_space<vmem>>)
    "tpu.region"() ({
      %run_scoped3A = tpu.sem_alloc : memref<!tpu.dma_semaphore, #tpu.memory_space<semaphore_mem>>
      %dma_start3A_7 = arith.constant 0 : i32
      %dma_start3A_8 = tpu.memref_slice %arg4[%mul3A_2, %dma_start3A_7] : memref<16384x128xf32, #tpu.memory_space<hbm>> -> memref<512x128xf32, #tpu.memory_space<hbm>>
      %dma_start3A_9 = arith.constant 0 : i32
      %dma_start3A_10 = tpu.memref_slice %arg4[%mul3A_2, %dma_start3A_9] : memref<16384x128xf32, #tpu.memory_space<hbm>> -> memref<512x128xf32, #tpu.memory_space<hbm>>
      tpu.enqueue_dma source(%arg6 : memref<512x128xf32, #tpu.memory_space<vmem>>) target(%dma_start3A_10 : memref<512x128xf32, #tpu.memory_space<hbm>>) target_semaphore(%run_scoped3A : memref<!tpu.dma_semaphore, #tpu.memory_space<semaphore_mem>>)
      %dma_wait3A_11 = arith.constant 0 : i32
      %dma_wait3A_12 = tpu.memref_slice %arg4[%mul3A_2, %dma_wait3A_11] : memref<16384x128xf32, #tpu.memory_space<hbm>> -> memref<512x128xf32, #tpu.memory_space<hbm>>
      %dma_wait3A_13 = arith.constant 0 : i32
      %dma_wait3A_14 = tpu.memref_slice %arg4[%mul3A_2, %dma_wait3A_13] : memref<16384x128xf32, #tpu.memory_space<hbm>> -> memref<512x128xf32, #tpu.memory_space<hbm>>
      tpu.wait_dma2 semaphore(%run_scoped3A : memref<!tpu.dma_semaphore, #tpu.memory_space<semaphore_mem>>) src(%arg6 : memref<512x128xf32, #tpu.memory_space<vmem>>) dst(%dma_wait3A_14 : memref<512x128xf32, #tpu.memory_space<hbm>>)
      tpu.yield
    }) : () -> ()
    return
  }
}

module attributes {stable_mosaic.version = 14 : i64} {
  func.func @_stage_a_body(%arg0: i32, %arg1: memref<1x64x1024xf32, #tpu.memory_space<vmem>>, %arg2: memref<1024x64xf32, #tpu.memory_space<vmem>>, %arg3: memref<1024xi32, #tpu.memory_space<vmem>>, %arg4: memref<1x1xf32, #tpu.memory_space<vmem>>, %arg5: memref<1x1xf32, #tpu.memory_space<vmem>>, %arg6: memref<1x1xf32, #tpu.memory_space<vmem>>, %arg7: memref<8x1024xf32, #tpu.memory_space<vmem>>, %arg8: memref<1024x64xf32, #tpu.memory_space<vmem>>, %arg9: memref<1024x8xf32, #tpu.memory_space<vmem>>) attributes {dimension_semantics = [#tpu.dimension_semantics<arbitrary>], iteration_bounds = array<i64: 16>, scalar_prefetch = 0 : i64, scratch_operands = 4 : i64, tpu.core_type = #tpu.core_type<tc>, window_params = [{transform_indices = @transform_0, window_bounds = array<i64: 1, 64, 1024>}, {pipeline_mode = #tpu.pipeline_mode<synchronous>, transform_indices = @transform_1, window_bounds = array<i64: 1024, 64>}, {transform_indices = @transform_2, window_bounds = array<i64: 1024>}, {pipeline_mode = #tpu.pipeline_mode<synchronous>, transform_indices = @transform_3, window_bounds = array<i64: 1, 1>}, {pipeline_mode = #tpu.pipeline_mode<synchronous>, transform_indices = @transform_4, window_bounds = array<i64: 1, 1>}]} {
    %eq3A = arith.constant 0 : i32
    %eq3A_0 = arith.cmpi eq, %arg0, %eq3A : i32
    %convert_element_type3A = arith.extui %eq3A_0 : i1 to i32
    %cond3A = arith.constant 0 : i32
    %cond3A_1 = arith.cmpi ne, %convert_element_type3A, %cond3A : i32
    scf.if %cond3A_1 {
      %broadcast_in_dim3A_179 = arith.constant 0.000000e+00 : f32
      %broadcast_in_dim3A_180 = vector.broadcast %broadcast_in_dim3A_179 : f32 to vector<1x1xf32>
      %swap3A_181 = arith.constant 0 : index
      %swap3A_182 = arith.constant 0 : index
      %swap3A_183 = vector.load %arg6[%swap3A_181, %swap3A_182] : memref<1x1xf32, #tpu.memory_space<vmem>>, vector<1x1xf32>
      tpu.vector_store %arg6[%swap3A_181, %swap3A_182], %broadcast_in_dim3A_180 {strides = array<i32>} : memref<1x1xf32, #tpu.memory_space<vmem>>, vector<1x1xf32>,
      %broadcast_in_dim3A_184 = arith.constant 0.000000e+00 : f32
      %broadcast_in_dim3A_185 = vector.broadcast %broadcast_in_dim3A_184 : f32 to vector<8x1024xf32>
      %swap3A_186 = arith.constant 0 : index
      %swap3A_187 = arith.constant 0 : index
      %swap3A_188 = vector.load %arg7[%swap3A_186, %swap3A_187] : memref<8x1024xf32, #tpu.memory_space<vmem>>, vector<8x1024xf32>
      tpu.vector_store %arg7[%swap3A_186, %swap3A_187], %broadcast_in_dim3A_185 {strides = array<i32>} : memref<8x1024xf32, #tpu.memory_space<vmem>>, vector<8x1024xf32>,
      %get3A_189 = arith.constant 0 : index
      %get3A_190 = arith.constant 0 : index
      %get3A_191 = vector.load %arg2[%get3A_189, %get3A_190] : memref<1024x64xf32, #tpu.memory_space<vmem>>, vector<1024x64xf32>
      %add3A_192 = arith.addf %get3A_191, %get3A_191 : vector<1024x64xf32>
      %neg3A = arith.constant 0.000000e+00 : f32
      %neg3A_193 = vector.broadcast %neg3A : f32 to vector<1024x64xf32>
      %neg3A_194 = arith.subf %neg3A_193, %add3A_192 : vector<1024x64xf32>
      %swap3A_195 = arith.constant 0 : index
      %swap3A_196 = arith.constant 0 : index
      %swap3A_197 = vector.load %arg8[%swap3A_195, %swap3A_196] : memref<1024x64xf32, #tpu.memory_space<vmem>>, vector<1024x64xf32>
      tpu.vector_store %arg8[%swap3A_195, %swap3A_196], %neg3A_194 {strides = array<i32>} : memref<1024x64xf32, #tpu.memory_space<vmem>>, vector<1024x64xf32>,
      %broadcast_in_dim3A_198 = arith.constant 1.000000e+00 : f32
      %broadcast_in_dim3A_199 = vector.broadcast %broadcast_in_dim3A_198 : f32 to vector<8x64xf32>
      %mul3A_200 = arith.mulf %get3A_191, %get3A_191 : vector<1024x64xf32>
      %dot_general3A_201 = arith.constant dense<0.000000e+00> : vector<1024x8xf32>
      %dot_general3A_202 = tpu.matmul %mul3A_200, %broadcast_in_dim3A_199, %dot_general3A_201 {dimension_numbers = #tpu.dot_dimension_numbers<[1], [1], [0], [0], [0, 0, 1, 0], [], []>, transpose_lhs_hint = false} : vector<1024x64xf32>, vector<8x64xf32>, vector<1024x8xf32> -> vector<1024x8xf32>
      %swap3A_203 = arith.constant 0 : index
      %swap3A_204 = arith.constant 0 : index
      %swap3A_205 = vector.load %arg9[%swap3A_203, %swap3A_204] : memref<1024x8xf32, #tpu.memory_space<vmem>>, vector<1024x8xf32>
      tpu.vector_store %arg9[%swap3A_203, %swap3A_204], %dot_general3A_202 {strides = array<i32>} : memref<1024x8xf32, #tpu.memory_space<vmem>>, vector<1024x8xf32>,
    } else {
    }
    %get3A = arith.constant 0 : index
    %get3A_2 = arith.constant 0 : index
    %get3A_3 = arith.constant 0 : index
    %get3A_4 = vector.load %arg1[%get3A, %get3A_2, %get3A_3] : memref<1x64x1024xf32, #tpu.memory_space<vmem>>, vector<1x64x1024xf32>
    %get3A_5 = vector.shape_cast %get3A_4 : vector<1x64x1024xf32> to vector<64x1024xf32>
    %broadcast_in_dim3A = arith.constant 1.000000e+00 : f32
    %broadcast_in_dim3A_6 = vector.broadcast %broadcast_in_dim3A : f32 to vector<8x64xf32>
    %mul3A = arith.mulf %get3A_5, %get3A_5 : vector<64x1024xf32>
    %dot_general3A = arith.constant dense<0.000000e+00> : vector<8x1024xf32>
    %dot_general3A_7 = tpu.matmul %broadcast_in_dim3A_6, %mul3A, %dot_general3A {dimension_numbers = #tpu.dot_dimension_numbers<[1], [0], [0], [1], [0, 0, 1, 1], [], []>, transpose_lhs_hint = false} : vector<8x64xf32>, vector<64x1024xf32>, vector<8x1024xf32> -> vector<8x1024xf32>
    %slice3A = vector.extract_strided_slice %dot_general3A_7 {offsets = [0, 0], sizes = [1, 1024], strides = [1, 1]} : vector<8x1024xf32> to vector<1x1024xf32>
    %get3A_8 = arith.constant 0 : index
    %get3A_9 = arith.constant 0 : index
    %get3A_10 = vector.load %arg9[%get3A_8, %get3A_9] : memref<1024x8xf32, #tpu.memory_space<vmem>>, vector<1024x1xf32>
    %iota3A = tpu.iota {dimensions = array<i32: 0>} : vector<128x1024xi32>
    %convert_element_type3A_11 = arith.sitofp %iota3A : vector<128x1024xi32> to vector<128x1024xf32>
    %get3A_12 = arith.constant 0 : index
    %get3A_13 = arith.constant 0 : index
    %get3A_14 = vector.load %arg8[%get3A_12, %get3A_13] : memref<1024x64xf32, #tpu.memory_space<vmem>>, vector<128x64xf32>
    %dot_general3A_15 = arith.constant dense<0.000000e+00> : vector<128x1024xf32>
    %dot_general3A_16 = tpu.matmul %get3A_14, %get3A_5, %dot_general3A_15 {dimension_numbers = #tpu.dot_dimension_numbers<[1], [0], [0], [1], [0, 0, 1, 1], [], []>, transpose_lhs_hint = false} : vector<128x64xf32>, vector<64x1024xf32>, vector<128x1024xf32> -> vector<128x1024xf32>
    %slice3A_17 = vector.extract_strided_slice %get3A_10 {offsets = [0, 0], sizes = [128, 1], strides = [1, 1]} : vector<1024x1xf32> to vector<128x1xf32>
    %add3A = vector.broadcast %slice3A : vector<1x1024xf32> to vector<128x1024xf32>
    %add3A_18 = vector.broadcast %slice3A_17 : vector<128x1xf32> to vector<128x1024xf32>
    %add3A_19 = arith.addf %add3A, %add3A_18 : vector<128x1024xf32>
    %add3A_20 = arith.addf %add3A_19, %dot_general3A_16 : vector<128x1024xf32>
    %get3A_21 = arith.constant 128 : index
    %get3A_22 = arith.constant 0 : index
    %get3A_23 = vector.load %arg8[%get3A_21, %get3A_22] : memref<1024x64xf32, #tpu.memory_space<vmem>>, vector<128x64xf32>
    %dot_general3A_24 = arith.constant dense<0.000000e+00> : vector<128x1024xf32>
    %dot_general3A_25 = tpu.matmul %get3A_23, %get3A_5, %dot_general3A_24 {dimension_numbers = #tpu.dot_dimension_numbers<[1], [0], [0], [1], [0, 0, 1, 1], [], []>, transpose_lhs_hint = false} : vector<128x64xf32>, vector<64x1024xf32>, vector<128x1024xf32> -> vector<128x1024xf32>
    %slice3A_26 = vector.extract_strided_slice %get3A_10 {offsets = [128, 0], sizes = [128, 1], strides = [1, 1]} : vector<1024x1xf32> to vector<128x1xf32>
    %add3A_27 = vector.broadcast %slice3A : vector<1x1024xf32> to vector<128x1024xf32>
    %add3A_28 = vector.broadcast %slice3A_26 : vector<128x1xf32> to vector<128x1024xf32>
    %add3A_29 = arith.addf %add3A_27, %add3A_28 : vector<128x1024xf32>
    %add3A_30 = arith.addf %add3A_29, %dot_general3A_25 : vector<128x1024xf32>
    %lt3A = arith.cmpf olt, %add3A_30, %add3A_20 : vector<128x1024xf32>
    %select_n3A = arith.select %lt3A, %add3A_30, %add3A_20 : vector<128x1024xi1>, vector<128x1024xf32>
    %add3A_31 = arith.constant 1.280000e+02 : f32
    %add3A_32 = vector.broadcast %add3A_31 : f32 to vector<128x1024xf32>
    %add3A_33 = arith.addf %convert_element_type3A_11, %add3A_32 : vector<128x1024xf32>
    %select_n3A_34 = arith.select %lt3A, %add3A_33, %convert_element_type3A_11 : vector<128x1024xi1>, vector<128x1024xf32>
    %get3A_35 = arith.constant 256 : index
    %get3A_36 = arith.constant 0 : index
    %get3A_37 = vector.load %arg8[%get3A_35, %get3A_36] : memref<1024x64xf32, #tpu.memory_space<vmem>>, vector<128x64xf32>
    %dot_general3A_38 = arith.constant dense<0.000000e+00> : vector<128x1024xf32>
    %dot_general3A_39 = tpu.matmul %get3A_37, %get3A_5, %dot_general3A_38 {dimension_numbers = #tpu.dot_dimension_numbers<[1], [0], [0], [1], [0, 0, 1, 1], [], []>, transpose_lhs_hint = false} : vector<128x64xf32>, vector<64x1024xf32>, vector<128x1024xf32> -> vector<128x1024xf32>
    %slice3A_40 = vector.extract_strided_slice %get3A_10 {offsets = [256, 0], sizes = [128, 1], strides = [1, 1]} : vector<1024x1xf32> to vector<128x1xf32>
    %add3A_41 = vector.broadcast %slice3A : vector<1x1024xf32> to vector<128x1024xf32>
    %add3A_42 = vector.broadcast %slice3A_40 : vector<128x1xf32> to vector<128x1024xf32>
    %add3A_43 = arith.addf %add3A_41, %add3A_42 : vector<128x1024xf32>
    %add3A_44 = arith.addf %add3A_43, %dot_general3A_39 : vector<128x1024xf32>
    %lt3A_45 = arith.cmpf olt, %add3A_44, %select_n3A : vector<128x1024xf32>
    %select_n3A_46 = arith.select %lt3A_45, %add3A_44, %select_n3A : vector<128x1024xi1>, vector<128x1024xf32>
    %add3A_47 = arith.constant 2.560000e+02 : f32
    %add3A_48 = vector.broadcast %add3A_47 : f32 to vector<128x1024xf32>
    %add3A_49 = arith.addf %convert_element_type3A_11, %add3A_48 : vector<128x1024xf32>
    %select_n3A_50 = arith.select %lt3A_45, %add3A_49, %select_n3A_34 : vector<128x1024xi1>, vector<128x1024xf32>
    %get3A_51 = arith.constant 384 : index
    %get3A_52 = arith.constant 0 : index
    %get3A_53 = vector.load %arg8[%get3A_51, %get3A_52] : memref<1024x64xf32, #tpu.memory_space<vmem>>, vector<128x64xf32>
    %dot_general3A_54 = arith.constant dense<0.000000e+00> : vector<128x1024xf32>
    %dot_general3A_55 = tpu.matmul %get3A_53, %get3A_5, %dot_general3A_54 {dimension_numbers = #tpu.dot_dimension_numbers<[1], [0], [0], [1], [0, 0, 1, 1], [], []>, transpose_lhs_hint = false} : vector<128x64xf32>, vector<64x1024xf32>, vector<128x1024xf32> -> vector<128x1024xf32>
    %slice3A_56 = vector.extract_strided_slice %get3A_10 {offsets = [384, 0], sizes = [128, 1], strides = [1, 1]} : vector<1024x1xf32> to vector<128x1xf32>
    %add3A_57 = vector.broadcast %slice3A : vector<1x1024xf32> to vector<128x1024xf32>
    %add3A_58 = vector.broadcast %slice3A_56 : vector<128x1xf32> to vector<128x1024xf32>
    %add3A_59 = arith.addf %add3A_57, %add3A_58 : vector<128x1024xf32>
    %add3A_60 = arith.addf %add3A_59, %dot_general3A_55 : vector<128x1024xf32>
    %lt3A_61 = arith.cmpf olt, %add3A_60, %select_n3A_46 : vector<128x1024xf32>
    %select_n3A_62 = arith.select %lt3A_61, %add3A_60, %select_n3A_46 : vector<128x1024xi1>, vector<128x1024xf32>
    %add3A_63 = arith.constant 3.840000e+02 : f32
    %add3A_64 = vector.broadcast %add3A_63 : f32 to vector<128x1024xf32>
    %add3A_65 = arith.addf %convert_element_type3A_11, %add3A_64 : vector<128x1024xf32>
    %select_n3A_66 = arith.select %lt3A_61, %add3A_65, %select_n3A_50 : vector<128x1024xi1>, vector<128x1024xf32>
    %get3A_67 = arith.constant 512 : index
    %get3A_68 = arith.constant 0 : index
    %get3A_69 = vector.load %arg8[%get3A_67, %get3A_68] : memref<1024x64xf32, #tpu.memory_space<vmem>>, vector<128x64xf32>
    %dot_general3A_70 = arith.constant dense<0.000000e+00> : vector<128x1024xf32>
    %dot_general3A_71 = tpu.matmul %get3A_69, %get3A_5, %dot_general3A_70 {dimension_numbers = #tpu.dot_dimension_numbers<[1], [0], [0], [1], [0, 0, 1, 1], [], []>, transpose_lhs_hint = false} : vector<128x64xf32>, vector<64x1024xf32>, vector<128x1024xf32> -> vector<128x1024xf32>
    %slice3A_72 = vector.extract_strided_slice %get3A_10 {offsets = [512, 0], sizes = [128, 1], strides = [1, 1]} : vector<1024x1xf32> to vector<128x1xf32>
    %add3A_73 = vector.broadcast %slice3A : vector<1x1024xf32> to vector<128x1024xf32>
    %add3A_74 = vector.broadcast %slice3A_72 : vector<128x1xf32> to vector<128x1024xf32>
    %add3A_75 = arith.addf %add3A_73, %add3A_74 : vector<128x1024xf32>
    %add3A_76 = arith.addf %add3A_75, %dot_general3A_71 : vector<128x1024xf32>
    %lt3A_77 = arith.cmpf olt, %add3A_76, %select_n3A_62 : vector<128x1024xf32>
    %select_n3A_78 = arith.select %lt3A_77, %add3A_76, %select_n3A_62 : vector<128x1024xi1>, vector<128x1024xf32>
    %add3A_79 = arith.constant 5.120000e+02 : f32
    %add3A_80 = vector.broadcast %add3A_79 : f32 to vector<128x1024xf32>
    %add3A_81 = arith.addf %convert_element_type3A_11, %add3A_80 : vector<128x1024xf32>
    %select_n3A_82 = arith.select %lt3A_77, %add3A_81, %select_n3A_66 : vector<128x1024xi1>, vector<128x1024xf32>
    %get3A_83 = arith.constant 640 : index
    %get3A_84 = arith.constant 0 : index
    %get3A_85 = vector.load %arg8[%get3A_83, %get3A_84] : memref<1024x64xf32, #tpu.memory_space<vmem>>, vector<128x64xf32>
    %dot_general3A_86 = arith.constant dense<0.000000e+00> : vector<128x1024xf32>
    %dot_general3A_87 = tpu.matmul %get3A_85, %get3A_5, %dot_general3A_86 {dimension_numbers = #tpu.dot_dimension_numbers<[1], [0], [0], [1], [0, 0, 1, 1], [], []>, transpose_lhs_hint = false} : vector<128x64xf32>, vector<64x1024xf32>, vector<128x1024xf32> -> vector<128x1024xf32>
    %slice3A_88 = vector.extract_strided_slice %get3A_10 {offsets = [640, 0], sizes = [128, 1], strides = [1, 1]} : vector<1024x1xf32> to vector<128x1xf32>
    %add3A_89 = vector.broadcast %slice3A : vector<1x1024xf32> to vector<128x1024xf32>
    %add3A_90 = vector.broadcast %slice3A_88 : vector<128x1xf32> to vector<128x1024xf32>
    %add3A_91 = arith.addf %add3A_89, %add3A_90 : vector<128x1024xf32>
    %add3A_92 = arith.addf %add3A_91, %dot_general3A_87 : vector<128x1024xf32>
    %lt3A_93 = arith.cmpf olt, %add3A_92, %select_n3A_78 : vector<128x1024xf32>
    %select_n3A_94 = arith.select %lt3A_93, %add3A_92, %select_n3A_78 : vector<128x1024xi1>, vector<128x1024xf32>
    %add3A_95 = arith.constant 6.400000e+02 : f32
    %add3A_96 = vector.broadcast %add3A_95 : f32 to vector<128x1024xf32>
    %add3A_97 = arith.addf %convert_element_type3A_11, %add3A_96 : vector<128x1024xf32>
    %select_n3A_98 = arith.select %lt3A_93, %add3A_97, %select_n3A_82 : vector<128x1024xi1>, vector<128x1024xf32>
    %get3A_99 = arith.constant 768 : index
    %get3A_100 = arith.constant 0 : index
    %get3A_101 = vector.load %arg8[%get3A_99, %get3A_100] : memref<1024x64xf32, #tpu.memory_space<vmem>>, vector<128x64xf32>
    %dot_general3A_102 = arith.constant dense<0.000000e+00> : vector<128x1024xf32>
    %dot_general3A_103 = tpu.matmul %get3A_101, %get3A_5, %dot_general3A_102 {dimension_numbers = #tpu.dot_dimension_numbers<[1], [0], [0], [1], [0, 0, 1, 1], [], []>, transpose_lhs_hint = false} : vector<128x64xf32>, vector<64x1024xf32>, vector<128x1024xf32> -> vector<128x1024xf32>
    %slice3A_104 = vector.extract_strided_slice %get3A_10 {offsets = [768, 0], sizes = [128, 1], strides = [1, 1]} : vector<1024x1xf32> to vector<128x1xf32>
    %add3A_105 = vector.broadcast %slice3A : vector<1x1024xf32> to vector<128x1024xf32>
    %add3A_106 = vector.broadcast %slice3A_104 : vector<128x1xf32> to vector<128x1024xf32>
    %add3A_107 = arith.addf %add3A_105, %add3A_106 : vector<128x1024xf32>
    %add3A_108 = arith.addf %add3A_107, %dot_general3A_103 : vector<128x1024xf32>
    %lt3A_109 = arith.cmpf olt, %add3A_108, %select_n3A_94 : vector<128x1024xf32>
    %select_n3A_110 = arith.select %lt3A_109, %add3A_108, %select_n3A_94 : vector<128x1024xi1>, vector<128x1024xf32>
    %add3A_111 = arith.constant 7.680000e+02 : f32
    %add3A_112 = vector.broadcast %add3A_111 : f32 to vector<128x1024xf32>
    %add3A_113 = arith.addf %convert_element_type3A_11, %add3A_112 : vector<128x1024xf32>
    %select_n3A_114 = arith.select %lt3A_109, %add3A_113, %select_n3A_98 : vector<128x1024xi1>, vector<128x1024xf32>
    %get3A_115 = arith.constant 896 : index
    %get3A_116 = arith.constant 0 : index
    %get3A_117 = vector.load %arg8[%get3A_115, %get3A_116] : memref<1024x64xf32, #tpu.memory_space<vmem>>, vector<128x64xf32>
    %dot_general3A_118 = arith.constant dense<0.000000e+00> : vector<128x1024xf32>
    %dot_general3A_119 = tpu.matmul %get3A_117, %get3A_5, %dot_general3A_118 {dimension_numbers = #tpu.dot_dimension_numbers<[1], [0], [0], [1], [0, 0, 1, 1], [], []>, transpose_lhs_hint = false} : vector<128x64xf32>, vector<64x1024xf32>, vector<128x1024xf32> -> vector<128x1024xf32>
    %slice3A_120 = vector.extract_strided_slice %get3A_10 {offsets = [896, 0], sizes = [128, 1], strides = [1, 1]} : vector<1024x1xf32> to vector<128x1xf32>
    %add3A_121 = vector.broadcast %slice3A : vector<1x1024xf32> to vector<128x1024xf32>
    %add3A_122 = vector.broadcast %slice3A_120 : vector<128x1xf32> to vector<128x1024xf32>
    %add3A_123 = arith.addf %add3A_121, %add3A_122 : vector<128x1024xf32>
    %add3A_124 = arith.addf %add3A_123, %dot_general3A_119 : vector<128x1024xf32>
    %lt3A_125 = arith.cmpf olt, %add3A_124, %select_n3A_110 : vector<128x1024xf32>
    %select_n3A_126 = arith.select %lt3A_125, %add3A_124, %select_n3A_110 : vector<128x1024xi1>, vector<128x1024xf32>
    %add3A_127 = arith.constant 8.960000e+02 : f32
    %add3A_128 = vector.broadcast %add3A_127 : f32 to vector<128x1024xf32>
    %add3A_129 = arith.addf %convert_element_type3A_11, %add3A_128 : vector<128x1024xf32>
    %select_n3A_130 = arith.select %lt3A_125, %add3A_129, %select_n3A_114 : vector<128x1024xi1>, vector<128x1024xf32>
    %reduce_min3A = arith.constant dense<0x7F800000> : vector<1024xf32>
    %reduce_min3A_131 = vector.multi_reduction <minimumf>, %select_n3A_126, %reduce_min3A [0] : vector<128x1024xf32> to vector<1024xf32>
    %broadcast_in_dim3A_132 = vector.shape_cast %reduce_min3A_131 : vector<1024xf32> to vector<1x1024xf32>
    %eq3A_133 = vector.broadcast %broadcast_in_dim3A_132 : vector<1x1024xf32> to vector<128x1024xf32>
    %eq3A_134 = arith.cmpf oeq, %select_n3A_126, %eq3A_133 : vector<128x1024xf32>
    %jit3A = arith.constant 1.07374182E+9 : f32
    %broadcast_in_dim3A_135 = vector.broadcast %jit3A : f32 to vector<128x1024xf32>
    %select_n3A_136 = arith.select %eq3A_134, %select_n3A_130, %broadcast_in_dim3A_135 : vector<128x1024xi1>, vector<128x1024xf32>
    %reduce_min3A_137 = arith.constant dense<0x7F800000> : vector<1024xf32>
    %reduce_min3A_138 = vector.multi_reduction <minimumf>, %select_n3A_136, %reduce_min3A_137 [0] : vector<128x1024xf32> to vector<1024xf32>
    %broadcast_in_dim3A_139 = vector.shape_cast %reduce_min3A_138 : vector<1024xf32> to vector<1x1024xf32>
    %convert_element_type3A_140 = arith.fptosi %broadcast_in_dim3A_139 : vector<1x1024xf32> to vector<1x1024xi32>
    %reshape3A = vector.shape_cast %convert_element_type3A_140 : vector<1x1024xi32> to vector<1024xi32>
    %swap3A = arith.constant 0 : index
    %swap3A_141 = vector.load %arg3[%swap3A] : memref<1024xi32, #tpu.memory_space<vmem>>, vector<1024xi32>
    tpu.vector_store %arg3[%swap3A], %reshape3A {strides = array<i32>} : memref<1024xi32, #tpu.memory_space<vmem>>, vector<1024xi32>,
    %get3A_142 = arith.constant 0 : index
    %get3A_143 = arith.constant 0 : index
    %get3A_144 = vector.load %arg6[%get3A_142, %get3A_143] : memref<1x1xf32, #tpu.memory_space<vmem>>, vector<1x1xf32>
    %reduce_sum3A = vector.shape_cast %broadcast_in_dim3A_132 : vector<1x1024xf32> to vector<1x1x1024xf32>
    %reduce_sum3A_145 = arith.constant dense<0.000000e+00> : vector<1xf32>
    %reduce_sum3A_146 = vector.multi_reduction <add>, %reduce_sum3A, %reduce_sum3A_145 [1, 2] : vector<1x1x1024xf32> to vector<1xf32>
    %reduce_sum3A_147 = vector.shape_cast %reduce_sum3A_146 : vector<1xf32> to vector<1x1x1xf32>
    %reduce_sum3A_148 = vector.extract %reduce_sum3A_147[0, 0, 0] : f32 from vector<1x1x1xf32>
    %broadcast_in_dim3A_149 = vector.broadcast %reduce_sum3A_148 : f32 to vector<1x1xf32>
    %add3A_150 = arith.addf %get3A_144, %broadcast_in_dim3A_149 : vector<1x1xf32>
    %swap3A_151 = arith.constant 0 : index
    %swap3A_152 = arith.constant 0 : index
    %swap3A_153 = vector.load %arg6[%swap3A_151, %swap3A_152] : memref<1x1xf32, #tpu.memory_space<vmem>>, vector<1x1xf32>
    tpu.vector_store %arg6[%swap3A_151, %swap3A_152], %add3A_150 {strides = array<i32>} : memref<1x1xf32, #tpu.memory_space<vmem>>, vector<1x1xf32>,
    %iota3A_154 = tpu.iota {dimensions = array<i32: 0>} : vector<1024x1024xi32>
    %convert_element_type3A_155 = arith.sitofp %iota3A_154 : vector<1024x1024xi32> to vector<1024x1024xf32>
    %eq3A_156 = vector.broadcast %broadcast_in_dim3A_139 : vector<1x1024xf32> to vector<1024x1024xf32>
    %eq3A_157 = arith.cmpf oeq, %convert_element_type3A_155, %eq3A_156 : vector<1024x1024xf32>
    %jit3A_158 = arith.constant 1.000000e+00 : f32
    %jit3A_159 = arith.constant 0.000000e+00 : f32
    %broadcast_in_dim3A_160 = vector.broadcast %jit3A_158 : f32 to vector<1024x1024xf32>
    %broadcast_in_dim3A_161 = vector.broadcast %jit3A_159 : f32 to vector<1024x1024xf32>
    %select_n3A_162 = arith.select %eq3A_157, %broadcast_in_dim3A_160, %broadcast_in_dim3A_161 : vector<1024x1024xi1>, vector<1024x1024xf32>
    %broadcast_in_dim3A_163 = arith.constant 1.000000e+00 : f32
    %broadcast_in_dim3A_164 = vector.broadcast %broadcast_in_dim3A_163 : f32 to vector<8x1024xf32>
    %get3A_165 = arith.constant 0 : index
    %get3A_166 = arith.constant 0 : index
    %get3A_167 = vector.load %arg7[%get3A_165, %get3A_166] : memref<8x1024xf32, #tpu.memory_space<vmem>>, vector<8x1024xf32>
    %dot_general3A_168 = arith.constant dense<0.000000e+00> : vector<8x1024xf32>
    %dot_general3A_169 = tpu.matmul %broadcast_in_dim3A_164, %select_n3A_162, %dot_general3A_168 {dimension_numbers = #tpu.dot_dimension_numbers<[1], [1], [0], [0], [0, 0, 1, 0], [], []>, transpose_lhs_hint = false} : vector<8x1024xf32>, vector<1024x1024xf32>, vector<8x1024xf32> -> vector<8x1024xf32>
    %add3A_170 = arith.addf %get3A_167, %dot_general3A_169 : vector<8x1024xf32>
    %swap3A_171 = arith.constant 0 : index
    %swap3A_172 = arith.constant 0 : index
    %swap3A_173 = vector.load %arg7[%swap3A_171, %swap3A_172] : memref<8x1024xf32, #tpu.memory_space<vmem>>, vector<8x1024xf32>
    tpu.vector_store %arg7[%swap3A_171, %swap3A_172], %add3A_170 {strides = array<i32>} : memref<8x1024xf32, #tpu.memory_space<vmem>>, vector<8x1024xf32>,
    %eq3A_174 = arith.constant 15 : i32
    %eq3A_175 = arith.cmpi eq, %arg0, %eq3A_174 : i32
    %convert_element_type3A_176 = arith.extui %eq3A_175 : i1 to i32
    %cond3A_177 = arith.constant 0 : i32
    %cond3A_178 = arith.cmpi ne, %convert_element_type3A_176, %cond3A_177 : i32
    scf.if %cond3A_178 {
      %get3A_179 = arith.constant 0 : index
      %get3A_180 = arith.constant 0 : index
      %get3A_181 = vector.load %arg6[%get3A_179, %get3A_180] : memref<1x1xf32, #tpu.memory_space<vmem>>, vector<1x1xf32>
      %mul3A_182 = arith.constant 2.38418579E-7 : f32
      %mul3A_183 = vector.broadcast %mul3A_182 : f32 to vector<1x1xf32>
      %mul3A_184 = arith.mulf %get3A_181, %mul3A_183 : vector<1x1xf32>
      %swap3A_185 = arith.constant 0 : index
      %swap3A_186 = arith.constant 0 : index
      %swap3A_187 = vector.load %arg4[%swap3A_185, %swap3A_186] : memref<1x1xf32, #tpu.memory_space<vmem>>, vector<1x1xf32>
      tpu.vector_store %arg4[%swap3A_185, %swap3A_186], %mul3A_184 {strides = array<i32>} : memref<1x1xf32, #tpu.memory_space<vmem>>, vector<1x1xf32>,
      %get3A_188 = arith.constant 0 : index
      %get3A_189 = arith.constant 0 : index
      %get3A_190 = vector.load %arg7[%get3A_188, %get3A_189] : memref<8x1024xf32, #tpu.memory_space<vmem>>, vector<1x1024xf32>
      %mul3A_191 = arith.constant 6.10351563E-5 : f32
      %mul3A_192 = vector.broadcast %mul3A_191 : f32 to vector<1x1024xf32>
      %mul3A_193 = arith.mulf %get3A_190, %mul3A_192 : vector<1x1024xf32>
      %add3A_194 = arith.constant 1.000000e-10 : f32
      %add3A_195 = vector.broadcast %add3A_194 : f32 to vector<1x1024xf32>
      %add3A_196 = arith.addf %mul3A_193, %add3A_195 : vector<1x1024xf32>
      %log3A = math.log %add3A_196 : vector<1x1024xf32>
      %mul3A_197 = arith.mulf %mul3A_193, %log3A : vector<1x1024xf32>
      %reduce_sum3A_198 = vector.shape_cast %mul3A_197 : vector<1x1024xf32> to vector<1x1x1024xf32>
      %reduce_sum3A_199 = arith.constant dense<0.000000e+00> : vector<1xf32>
      %reduce_sum3A_200 = vector.multi_reduction <add>, %reduce_sum3A_198, %reduce_sum3A_199 [1, 2] : vector<1x1x1024xf32> to vector<1xf32>
      %reduce_sum3A_201 = vector.shape_cast %reduce_sum3A_200 : vector<1xf32> to vector<1x1x1xf32>
      %reduce_sum3A_202 = vector.extract %reduce_sum3A_201[0, 0, 0] : f32 from vector<1x1x1xf32>
      %broadcast_in_dim3A_203 = vector.broadcast %reduce_sum3A_202 : f32 to vector<1x1xf32>
      %neg3A = arith.constant 0.000000e+00 : f32
      %neg3A_204 = vector.broadcast %neg3A : f32 to vector<1x1xf32>
      %neg3A_205 = arith.subf %neg3A_204, %broadcast_in_dim3A_203 : vector<1x1xf32>
      %exp3A = math.exp %neg3A_205 : vector<1x1xf32>
      %swap3A_206 = arith.constant 0 : index
      %swap3A_207 = arith.constant 0 : index
      %swap3A_208 = vector.load %arg5[%swap3A_206, %swap3A_207] : memref<1x1xf32, #tpu.memory_space<vmem>>, vector<1x1xf32>
      tpu.vector_store %arg5[%swap3A_206, %swap3A_207], %exp3A {strides = array<i32>} : memref<1x1xf32, #tpu.memory_space<vmem>>, vector<1x1xf32>,
    } else {
    }
    return
  }
  func.func @transform_0(%arg0: i32) -> (i32, i32, i32) {
    %c0_i32 = arith.constant 0 : i32
    %c0_i32_0 = arith.constant 0 : i32
    %c0_i32_1 = arith.constant 0 : i32
    return %arg0, %c0_i32, %c0_i32_0 : i32, i32, i32
  }
  func.func @transform_1(%arg0: i32) -> (i32, i32) {
    %c0_i32 = arith.constant 0 : i32
    %c0_i32_0 = arith.constant 0 : i32
    %c0_i32_1 = arith.constant 0 : i32
    return %c0_i32, %c0_i32_0 : i32, i32
  }
  func.func @transform_2(%arg0: i32) -> i32 {
    %c0_i32 = arith.constant 0 : i32
    return %arg0 : i32
  }
  func.func @transform_3(%arg0: i32) -> (i32, i32) {
    %c0_i32 = arith.constant 0 : i32
    %c0_i32_0 = arith.constant 0 : i32
    %c0_i32_1 = arith.constant 0 : i32
    return %c0_i32, %c0_i32_0 : i32, i32
  }
  func.func @transform_4(%arg0: i32) -> (i32, i32) {
    %c0_i32 = arith.constant 0 : i32
    %c0_i32_0 = arith.constant 0 : i32
    %c0_i32_1 = arith.constant 0 : i32
    return %c0_i32, %c0_i32_0 : i32, i32
  }
}

</mosaic_0001>

<sc_bundles>
// kernel: kernel.4.cloned.1.call-start
scs
__scs_entry_jumppad:
0x0: {  	(pc) =	sbr.rel $0x88, $3  }
0x1: {  	(tag) =	ssettag $0x0;
	lr =	simm.s32 $0x1  }
0x2: {  	[smem:$0x3F9F] =	sst lr;
	_ =	strace $0xD0000000  }
0x3: {  	_ = 	snop  }
0x4: {  	_ = 	snop  }
0x5: {  	_ = 	snop  }
0x6: {  	_ = 	snop  }
0x7: {  	_ = 	snop  }
__scs_overlays_trampoline_lowered:
0x8: {  	[smem:$0x3FAE] =	sst s0  }
0x9: {  	[smem:$0x3FAF] =	sst s1  }
0xa: {  	[smem:$0x3FB0] =	sst s2  }
0xb: {  	[smem:$0x3FB1] =	sst s3  }
0xc: {  	[smem:$0x3FB2] =	sst s4  }
0xd: {  	[smem:$0x3FB3] =	sst s5  }
0xe: {  	[smem:$0x3FB4] =	sst s6  }
0xf: {  	[smem:$0x3FB5] =	sst s7  }
0x10: {  	[smem:$0x3FB6] =	sst s8  }
0x11: {  	[smem:$0x3FB7] =	sst s9;
	s0 =	simm.s32 @!p0 $0x0  }
0x12: {  	s1 =	sld [smem:$0x3F9D];
	s0 =	simm.s32 @p0 $0x1  }
0x13: {  	[smem:$0x3FB8] =	sst s0;
	s0 =	simm.s32 @!p1 $0x0  }
0x14: {  	s2 =	sld [smem:$0x3F9C];
	s0 =	simm.s32 @p1 $0x1  }
0x15: {  	[smem:$0x3FB9] =	sst s0;
	s0 =	simm.s32 @!p2 $0x0  }
0x16: {  	s3 =	sld [smem:$0x3FDB];
	s0 =	simm.s32 @p2 $0x1  }
0x17: {  	s4 =	simm.s32 $0x1BF5;
	[smem:$0x3FBB] =	sst s0  }
0x18: {  	s0 =	sld [smem:$0x3F9E];
	_ =	swait.ge [sflag:s4], $0x0  }
0x19: {  	s7 =	sld [smem:$0x3F9F]  }
0x1a: {  	s8 =	sadd.s32 $0xFFFFE003, lr  }
0x1b: {  	s9 =	sadd.s32 $0xFFFFFEF7, lr;
	s5 =	simm.s32 $0xFFFFFFFF;
	p2 =	slt.u32 s8, $0xFFFFF086  }
0x1c: {  	p1 =	slt.u32 s9, $0xF7A;
	s5 =	simm.s32 @!p2 $0x0  }
0x1d: {  	s5 =	simm.s32 @p1 $0x1;
	p0 =	seq.s32 s7, s2  }
0x1e: {  	s7 =	smul.u32 @!p0 $0xF7A, s2;
	p2 =	seq.s32 @!p0 s5, $0x0  }
0x1f: {  	s9 =	smul.u32 $0xF7A, s1;
	s8 =	simm.s32 @!p0 $0x1BF5;
	p2 =	por !p2, p0  }
0x20: {  	[sflag:s8] =	ssyncset.s32 @!p0 $0xFFFFF086;
	s6 =	sadd.s32 @!p0 s3, s7;
	s7 =	simm.s32 @!p0 $0x108  }
0x21: {  	s3 =	sadd.s32 s3, s9;
	s6 =	sadd.s32 @!p0 $0x88, s6;
	s7 =	simm.s32 @p2 $0x1082  }
0x22: {  	[simem:s7], [sflag:s8] =	dma.local @!p0 [hbm:s6], $0xF7A  }
0x23: {  	s9 =	sor.u32 $0xD0000000, s2;
	s6 =	simm.s32 $0x108;
	_ =	swait.ge @!p0 [sflag:s8], $0x0  }
0x24: {  	s3 =	sadd.s32 $0x88, s3;
	s6 =	simm.s32 @!p1 $0x1082;
	[sflag:s4] =	ssyncset.s32 $0xFFFFF086  }
0x25: {  	[simem:s6], [sflag:s4] =	dma.local [hbm:s3], $0xF7A  }
0x26: {  	[smem:$0x3F9F] =	sst s1;
	(tag) =	ssettag s2;
	_ =	strace s9  }
0x27: {  	s1 =	sld [smem:$0x3FAF]  }
0x28: {  	s2 =	sld [smem:$0x3FB0]  }
0x29: {  	s4 =	sld [smem:$0x3FB2]  }
0x2a: {  	p0 =	seq.s32 s5, $0x0;
	s5 =	sld [smem:$0x3FB3]  }
0x2b: {  	s6 =	sld [smem:$0x3FB4]  }
0x2c: {  	s7 =	sld [smem:$0x3FB5]  }
0x2d: {  	s3 =	simm.s32 $0x108;
	s8 =	sld [smem:$0x3FB6]  }
0x2e: {  	s3 =	simm.s32 @!p0 $0x1082;
	s9 =	sld [smem:$0x3FB7]  }
0x2f: {  	lr =	sadd.s32 s0, s3;
	s0 =	sld [smem:$0x3FAE]  }
0x30: {  	s3 =	sld [smem:$0x3FB1]  }
0x31: {  	[smem:$0x3FBA] =	sst s10  }
0x32: {  	s10 =	sld [smem:$0x3FB8];
	_ =	sdelay $0x3  }
0x33: {  	p0 =	seq.s32 s10, $0x1;
	s10 =	sld [smem:$0x3FBA];
	_ =	sdelay $0x3  }
0x34: {  	[smem:$0x3FBA] =	sst s10  }
0x35: {  	s10 =	sld [smem:$0x3FB9];
	_ =	sdelay $0x3  }
0x36: {  	p1 =	seq.s32 s10, $0x1;
	s10 =	sld [smem:$0x3FBA];
	_ =	sdelay $0x3  }
0x37: {  	[smem:$0x3FBA] =	sst s10  }
0x38: {  	s10 =	sld [smem:$0x3FBB]  }
0x39: {  	_ = 	snop;
	(pc) =	sbr.ind lr, $3  }
0x3a: {  	_ = 	snop  }
0x3b: {  	_ = 	snop  }
0x3c: {  	p2 =	seq.s32 s10, $0x1;
	s10 =	sld [smem:$0x3FBA]  }
0x3d: {  	_ =	shalt  }
0x3e: {  	_ =	shalt  }
0x3f: {  	_ =	shalt  }
0x40: {  	_ =	shalt  }
0x41: {  	_ =	shalt  }
0x42: {  	_ =	shalt  }
0x43: {  	_ =	shalt  }
0x44: {  	_ =	shalt  }
0x45: {  	_ =	shalt  }
0x46: {  	_ =	shalt  }
0x47: {  	_ =	shalt  }
0x48: {  	_ =	shalt  }
0x49: {  	_ =	shalt  }
0x4a: {  	_ =	shalt  }
0x4b: {  	_ =	shalt  }
0x4c: {  	_ =	shalt  }
0x4d: {  	_ =	shalt  }
0x4e: {  	_ =	shalt  }
0x4f: {  	_ =	shalt  }
0x50: {  	_ =	shalt  }
0x51: {  	_ =	shalt  }
0x52: {  	_ =	shalt  }
0x53: {  	_ =	shalt  }
0x54: {  	_ =	shalt  }
0x55: {  	_ =	shalt  }
0x56: {  	_ =	shalt  }
0x57: {  	_ =	shalt  }
0x58: {  	_ =	shalt  }
0x59: {  	_ =	shalt  }
0x5a: {  	_ =	shalt  }
0x5b: {  	_ =	shalt  }
0x5c: {  	_ =	shalt  }
0x5d: {  	_ =	shalt  }
0x5e: {  	_ =	shalt  }
0x5f: {  	_ =	shalt  }
0x60: {  	_ =	shalt  }
0x61: {  	_ =	shalt  }
0x62: {  	_ =	shalt  }
0x63: {  	_ =	shalt  }
0x64: {  	_ =	shalt  }
0x65: {  	_ =	shalt  }
0x66: {  	_ =	shalt  }
0x67: {  	_ =	shalt  }
0x68: {  	_ =	shalt  }
0x69: {  	_ =	shalt  }
0x6a: {  	_ =	shalt  }
0x6b: {  	_ =	shalt  }
0x6c: {  	_ =	shalt  }
0x6d: {  	_ =	shalt  }
0x6e: {  	_ =	shalt  }
0x6f: {  	_ =	shalt  }
0x70: {  	_ =	shalt  }
0x71: {  	_ =	shalt  }
0x72: {  	_ =	shalt  }
0x73: {  	_ =	shalt  }
0x74: {  	_ =	shalt  }
0x75: {  	_ =	shalt  }
0x76: {  	_ =	shalt  }
0x77: {  	_ =	shalt  }
0x78: {  	_ =	shalt  }
0x79: {  	_ =	shalt  }
0x7a: {  	_ =	shalt  }
0x7b: {  	_ =	shalt  }
0x7c: {  	_ =	shalt  }
0x7d: {  	_ =	shalt  }
0x7e: {  	_ =	shalt  }
0x7f: {  	_ =	shalt  }
0x80: {  	_ =	shalt  }
0x81: {  	_ =	shalt  }
0x82: {  	_ =	shalt  }
0x83: {  	_ =	shalt  }
0x84: {  	_ =	shalt  }
0x85: {  	_ =	shalt  }
0x86: {  	_ =	shalt  }
0x87: {  	_ =	shalt  }
.Lfunc_end0:
.L_simem_size_0:
called_computation_lowered:
.L_overlay_start_0:
0x88: {  	s2 =	sld [smem:$0x3FD9]  }
0x89: {  	s3 =	sld [smem:$0x3FFE];
	_ =	sdelay $0x1  }
0x8a: {  	s1 =	srdreg.scid  }
0x8b: {  	s0 =	sand.u32 $0x1, s1  }
0x8c: {  	s14 =	sshll.u32 s0, $0xA;
	s2 =	sadd.s32 s3, s2  }
0x8d: {  	s2 =	sadd.s32 s2, s14  }
0x8e: {  	[smem:$0x3FC6] =	sst s2  }
0x8f: {  	_ = 	snop  }
0x90: {  	s2 =	sld [smem:$0x3FD0];
	_ =	sdelay $0x2  }
0x91: {  	s15 =	simm.s32 $0xA;
	s4 =	simm.s32 $0x10  }
0x92: {  	[smem:s4], [sflag:s15] =	dma.local [hbm:s2], $0x1  }
0x93: {  	_ =	swait.eq [sflag:s15], $0x1  }
0x94: {  	[sflag:s15] =	ssyncset.done $0x0  }
0x95: {  	[sflag:s15] =	ssyncadd.s32 $0xFFFFFFFF  }
0x96: {  	s16 =	sld [smem:$0x10];
	(tm) =	ssettm $0x1  }
0x97: {  	s17 =	sld [smem:$0x3FFB];
	_ =	sdelay $0x3  }
0x98: {  	_ =	strace s17  }
0x99: {  	s3 =	sld [smem:$0x3FFC];
	_ =	sdelay $0x3  }
0x9a: {  	_ =	strace s3  }
0x9b: {  	s3 =	sld [smem:$0x3FFD];
	_ =	sdelay $0x3  }
0x9c: {  	_ =	strace s3  }
0x9d: {  	_ =	strace $0x8FFFFFFF  }
0x9e: {  	s18 =	sld [smem:$0x3FDB];
	_ =	sdelay $0x1  }
0x9f: {  	s19 =	simm.s32 $_scs_section_size  }
0xa0: {  	s5 =	simm.s32 $_size__tile_overlayer_lowered;
	s6 =	simm.s32 $_tile_overlayer_lowered  }
0xa1: {  	s22 =	simm.s32 $0x1BFF;
	s21 =	sshll.u32 s6, $0x1;
	s3 =	sadd.s32 s19, s18  }
0xa2: {  	s7 =	simm.s32 $0x0;
	s20 =	sshll.u32 s5, $0x1;
	s5 =	sadd.s32 s21, s3  }
0xa3: {  	[timem:s7], [sflag:s22] =	dma.local [hbm:s5], s20  }
0xa4: {  	_ =	swait.ge [sflag:s22], s20  }
0xa5: {  	s4 =	ssub.s32 $0x0, s20;
	[sflag:s22] =	ssyncset.done $0x0  }
0xa6: {  	[sflag:s22] =	ssyncadd.s32 s4;
	_ =	sdelay $0x1  }
0xa7: {  	s23 =	simm.s32 $0x1B8B  }
0xa8: {  	_ =	swait.ge [sflag:s23], $0x1  }
0xa9: {  	[sflag:s23] =	ssyncset.done $0x0  }
0xaa: {  	s25 =	simm.s32 $0x1B8E;
	s24 =	sld [smem:$0x3FFE];
	[sflag:s23] =	ssyncadd.s32 $0xFFFFFFFF  }
0xab: {  	s26 =	simm.s32 $execute0_lowered;
	[smem:$0x3FD2] =	sst s25  }
0xac: {  	s5 =	sshll.u32 s26, $0x1;
	_ =	strace $0x80000046;
	[dreg:$0x1] =	wrdreg $0xFFFFFFFF  }
0xad: {  	s28 =	simm.s32 $_size_execute0_lowered;
	s3 =	sadd.s32 s3, s5;
	[dreg:$0x0] =	wrdreg $0x0  }
0xae: {  	s5 =	sshll.u32 s28, $0x1;
	[dreg:$0x2] =	wrdreg s3  }
0xaf: {  	[dreg:$0x3] =	wrdreg s5  }
0xb0: {  	[dreg:$0x4] =	wrdreg $0xC0  }
0xb1: {  	_ =	task [dreg:s7], $0x5FFFF  }
0xb2: {  	[dreg:$0x1] =	wrdreg $0xFFFFFFFF  }
0xb3: {  	[dreg:$0x0] =	wrdreg $0x60  }
0xb4: {  	[dreg:$0x2] =	wrdreg s16  }
0xb5: {  	[dreg:$0x3] =	wrdreg s24  }
0xb6: {  	[dreg:$0x4] =	wrdreg $0x9  }
0xb7: {  	_ =	task.clear_ibuf [dreg:s7], $0x5FFFF;
	_ =	strace $0x90000046  }
0xb8: {  	s29 =	simm.s32 $0x9;
	_ =	strace $0x80000048  }
0xb9: {  	_ =	swait.ge [sflag:s29], $0x1  }
0xba: {  	[sflag:s29] =	ssyncadd.s32 $0xFFFFFFFF  }
0xbb: {  	_ =	strace $0x90000048  }
0xbc: {  	_ =	sfence  }
0xbd: {  	s30 =	sld [smem:$0x0];
	_ =	sdelay $0x2  }
0xbe: {  	s31 =	sshll.u32 s1, $0xD;
	s1 =	sshrl.u32 s1, $0x2  }
0xbf: {  	s3 =	sand.u32 $0x4000, s31;
	s1 =	sadd.s32 s1, s30  }
0xc0: {  	s0 =	sor.u32 s3, s0;
	s1 =	sshll.u32 s1, $0x11  }
0xc1: {  	s0 =	sor.u32 s1, s0  }
0xc2: {  	s0 =	sadd.s32 $0x8F2B, s0  }
0xc3: {  	[sflag:s0] =	ssyncadd.remote.s32 $0x1  }
0xc4: {  	_ =	sfence.sel $0xFFFF  }
0xc5: {  	[dreg:$0x0] =	wrdreg $0xFFFFFFFF;
	(pc) =	sbr.abs _section_cstart, $3  }
0xc6: {  	[dreg:$0x1] =	wrdreg $0xFFFFFFFF  }
0xc7: {  	_ =	task.clear_ibuf [dreg:s7], $0x2FFFF;
	_ =	strace $0x9FFFFFFF  }
0xc8: {  	(tm) =	ssettm $0x7FFFFFFF  }
0xc9: {  	_ =	shalt  }
tec
execute0_lowered:
.L_overlay_start_1:
0x0: {  	(tag) =	ssettag $0x1  }
0x1: {  	s1 =	srdreg.scid  }
0x2: {  	s0 =	stileid.u32;
	s6 =	sand.u32 $0x1, s1  }
0x3: {  	s2 =	rddreg [dreg:$0x0];
	s30 =	sshll.u32 s0, $0xA;
	s3 =	sshll.u32 s6, $0x9  }
0x4: {  	s8 =	rddreg [dreg:$0x1];
	s7 =	simm.s32 $0x1;
	s9 =	sor.u32 s3, s30  }
0x5: {  	s1 =	rddreg [dreg:$0x2];
	s3 =	simm.s32 $0x0;
	s4 =	sshrl.u32 s9, $0x3  }
0x6: {  	s10 =	ssub.s32 $0x2, s6;
	[smem:$0x7FF] =	sst s3;
	s4 =	sadd.s32 s4, s8  }
0x7: {  	_ =	strace $0x80000047;
	s5 =	sadd.s32 $0xA00, s4;
	s4 =	simm.s32 $0x2  }
0x8: {  	[tilespmem:s3], [sflag:$0x2] =	stream.linear.gather [hbm4b:s5+s3], $0x200, $0x38;
	[tilespmem:$0x10200] =	vst v63  }
0x9: {  	s6 =	simm.s32 $0x200;
	s11 =	sshrl.u32 s10, $0x1;
	_ =	swait.ge [sflag:s4], $0x200  }
0xa: {  	s9 =	sshll.u32 s9, $0x4;
	s31 =	ssub.s32 s10, s11;
	[sflag:s4] =	ssyncset.done $0x0  }
0xb: {  	s8 =	sadd.s32 s9, s8;
	s9 =	smax.u32 s31, $0x1;
	[sflag:s4] =	ssyncadd.s32 $0xFFFFFE00  }
0xc: {  	[tilespmem:s6], [sflag:$0x1] =	stream.indirect.gather [hbm4b:s2+s6], $0x80, s3, s6, $0xb8;
	[tilespmem:$0x10200] =	vst v63  }
0xd: {  	p0 =	sne.s32 s9, $0x1;
	_ =	swait.ge [sflag:s7], $0x10000  }
.Ltmp0:
0xe: {  	[sflag:s7] =	ssyncset.done $0x0;
	(pc) =	sbr.rel @!p0 .LBB2_2-.Ltmp0, $4  }
0xf: {  	s8 =	sadd.s32 $0x1200, s8;
	[sflag:s7] =	ssyncadd.s32 $0xFFFF0000  }
0x10: {  	[hbm4b:s8+s3] =	stream.linear.scatter [tilespmem:s6], [sflag:$0x2], $0x10000, $0x38;
	[tilespmem:$0x10200] =	vst v63  }
0x11: {  	_ =	swait.ge [sflag:s4], $0x10000  }
0x12: {  	s9 =	sadd.s32 $0xFFFFFFFF, s9;
	[sflag:s4] =	ssyncset.done $0x0  }
.LBB2_1:
0x13: {  	p0 =	sne.s32 s9, $0x1;
	s9 =	sadd.s32 $0xFFFFFFFF, s9;
	[sflag:s4] =	ssyncadd.s32 $0xFFFF0000  }
0x14: {  	[tilespmem:s3], [sflag:$0x2] =	stream.linear.gather [hbm4b:s5+s3], $0x200, $0x38;
	[tilespmem:$0x10200] =	vst v63  }
0x15: {  	_ =	swait.ge [sflag:s4], $0x200  }
0x16: {  	[sflag:s4] =	ssyncset.done $0x0  }
0x17: {  	[sflag:s4] =	ssyncadd.s32 $0xFFFFFE00  }
0x18: {  	[tilespmem:s6], [sflag:$0x1] =	stream.indirect.gather [hbm4b:s2+s6], $0x80, s3, s6, $0xb8;
	[tilespmem:$0x10200] =	vst v63  }
0x19: {  	_ =	swait.ge [sflag:s7], $0x10000  }
.Ltmp1:
0x1a: {  	[sflag:s7] =	ssyncset.done $0x0;
	(pc) =	sbr.rel @p0 .LBB2_1-.Ltmp1, $4  }
0x1b: {  	[sflag:s7] =	ssyncadd.s32 $0xFFFF0000  }
0x1c: {  	[hbm4b:s8+s3] =	stream.linear.scatter [tilespmem:s6], [sflag:$0x2], $0x10000, $0x38;
	[tilespmem:$0x10200] =	vst v63  }
0x1d: {  	_ =	swait.ge [sflag:s4], $0x10000  }
0x1e: {  	[sflag:s4] =	ssyncset.done $0x0  }
.LBB2_2:
0x1f: {  	[sflag:s4] =	ssyncadd.s32 $0xFFFF0000  }
0x20: {  	_ =	sfence.sel $0x180000  }
0x21: {  	[bflag:$0x0] =	sbarrier.arrive $0xFFFF  }
0x22: {  	p0 =	sne.s32 s0, $0x0;
	_ =	strace $0x90000047  }
0x23: {  	s0 =	sadd.s32 @!p0 $0x100000, s1;
	[bflag:$0x2] =	sbarrier.arrive $0xFFFF  }
0x24: {  	[sflag:s0] =	ssyncadd.tile.s32 @!p0 $0x1;
	_ =	shalt  }
.Lfunc_end2:
_tile_overlayer_lowered:
.L_overlay_start_2:
0x25: {  	(tag) =	ssettag $0x2  }
0x26: {  	s0 =	rddreg [dreg:$0x0];
	s2 =	stileid.u32  }
0x27: {  	s1 =	rddreg [dreg:$0x1];
	p0 =	sne.s32 s2, $0x0  }
0x28: {  	s3 =	rddreg [dreg:$0x2];
	[bflag:$0x3] =	sbarrier.arrive $0xFFFF;
	s2 =	simm.s32 @!p0 $0x1C02  }
0x29: {  	[timem:s3], [sflag:s2] =	dma.local @!p0 [hbm:s0], s1  }
0x2a: {  	s0 =	simm.s32 @!p0 $0x2  }
0x2b: {  	_ =	swait.ge @!p0 [sflag:s0], s1  }
0x2c: {  	s1 =	ssub.s32 @!p0 $0x0, s1;
	[sflag:s0] =	ssyncset.done @!p0 $0x0  }
0x2d: {  	[sflag:s0] =	ssyncadd.s32 @!p0 s1  }
0x2e: {  	[bflag:$0x3] =	sbarrier.arrive $0xFFFF  }
0x2f: {  	_ =	shalt  }

</sc_bundles>
